<compile_context>
chip_gen: v7x
topology: tpu7x:2x2x1
jax: 0.10.2.dev20260603
libtpu: 0.0.44.dev20260713+nightly
codegen_flags: <defaults>
</compile_context>

<pallas_src>
import functools

import jax
import jax.numpy as jnp
from jax import lax
from jax.experimental import pallas as pl
from jax.experimental.pallas import tpu as pltpu
from jax.experimental.pallas import tpu_sc as plsc

_IMIN = -2147483648


def _score_block(x_ref, s_ref, p_ref):
    xb = x_ref[...]
    s = s_ref[...]
    n2 = jnp.sum(xb * xb, axis=1, keepdims=True)
    inv = jax.lax.rsqrt(jnp.maximum(n2, 1e-24))
    y = jax.lax.dot_general(
        s, xb * inv, (((1,), (1,)), ((), ())),
        preferred_element_type=jnp.float32)
    bits = jax.lax.bitcast_convert_type(y, jnp.int32)
    key = bits ^ ((bits >> 31) & 0x7FFFFFFF)
    rank = 7 - jax.lax.broadcasted_iota(jnp.int32, y.shape, 0)
    p_ref[...] = (key & ~7) | rank


def _tc_scores(x, phase_signatures):
    n, d = x.shape
    e = phase_signatures.shape[0]
    block = 4096
    return pl.pallas_call(
        _score_block,
        grid=(n // block,),
        in_specs=[
            pl.BlockSpec((block, d), lambda b: (b, 0)),
            pl.BlockSpec((e, d), lambda b: (0, 0)),
        ],
        out_specs=pl.BlockSpec((e, block), lambda b: (0, b)),
        out_shape=jax.ShapeDtypeStruct((e, n), jnp.int32),
    )(x, phase_signatures)


def _make_sc_top2(n):
    info = plsc.get_sparse_core_info()
    nw = info.num_cores * info.num_subcores
    per = n // nw
    mesh = plsc.VectorSubcoreMesh(core_axis_name="c", subcore_axis_name="s")

    @functools.partial(
        pl.kernel, mesh=mesh,
        out_type=[
            jax.ShapeDtypeStruct((2, n), jnp.float32),
            jax.ShapeDtypeStruct((2, n), jnp.int32),
        ],
        scratch_types=[
            pltpu.VMEM((8, per), jnp.int32),
            pltpu.VMEM((2, per), jnp.float32),
            pltpu.VMEM((2, per), jnp.int32),
        ],
    )
    def sc_top2(p_hbm, w_hbm, i_hbm, p_v, w_v, i_v):
        wid = lax.axis_index("s") * info.num_cores + lax.axis_index("c")
        base = wid * per
        pltpu.sync_copy(p_hbm.at[:, pl.ds(base, per)], p_v)

        def chunk(j, carry):
            o = j * 16
            v0 = p_v[0, pl.ds(o, 16)]
            v1 = p_v[1, pl.ds(o, 16)]
            v2 = p_v[2, pl.ds(o, 16)]
            v3 = p_v[3, pl.ds(o, 16)]
            v4 = p_v[4, pl.ds(o, 16)]
            v5 = p_v[5, pl.ds(o, 16)]
            v6 = p_v[6, pl.ds(o, 16)]
            v7 = p_v[7, pl.ds(o, 16)]
            a = jnp.maximum(jnp.maximum(v0, v1), jnp.maximum(v2, v3))
            b = jnp.maximum(jnp.maximum(v4, v5), jnp.maximum(v6, v7))
            p1 = jnp.maximum(a, b)
            neg = jnp.full((16,), _IMIN, jnp.int32)
            p2 = neg
            for v in (v0, v1, v2, v3, v4, v5, v6, v7):
                p2 = jnp.maximum(p2, jnp.where(v == p1, neg, v))

            for row, pv in ((0, p1), (1, p2)):
                i_v[row, pl.ds(o, 16)] = 7 - (pv & 7)
                vb = pv & ~7
                w = jax.lax.bitcast_convert_type(
                    vb ^ ((vb >> 31) & 0x7FFFFFFF), jnp.float32)
                w_v[row, pl.ds(o, 16)] = jnp.maximum(w, 0.0)
            return carry

        lax.fori_loop(0, per // 16, chunk, 0)
        pltpu.sync_copy(w_v, w_hbm.at[:, pl.ds(base, per)])
        pltpu.sync_copy(i_v, i_hbm.at[:, pl.ds(base, per)])

    return sc_top2


@functools.partial(jax.jit, static_argnames=())
def kernel(x, phase_signatures):
    n = x.shape[0]
    packed = _tc_scores(x, phase_signatures)
    w_t, i_t = _make_sc_top2(n)(packed)
    return (w_t.T, i_t.T)

# --- scband reference (transcript-rebuilt; emitter-appended) ---
"""Pipeline reference for scband-darwinian-router-62560493634130 (READ-ONLY COPY).

The authoritative reference and input builder live on the scoring server;
editing this copy changes nothing except your own understanding.
"""

import jax, jax.numpy as jnp
import numpy as np


def _l2norm(v, axis=-1, eps=1e-12):
    n = jnp.linalg.norm(v, axis=axis, keepdims=True)
    return v / jnp.clip(n, eps)


def setup_inputs(seed: int = 0) -> dict:
    key = jax.random.key(seed)
    kx, ks = jax.random.split(key)
    x = jax.random.normal(kx, (32768, 768), dtype=jnp.float32)
    phase_signatures = jax.random.normal(ks, (8, 768), dtype=jnp.float32)
    phase_signatures = _l2norm(phase_signatures)  # normalized at init, like _normalize_signatures()
    return {"x": x, "phase_signatures": phase_signatures}


def reference(x, phase_signatures):
    # F.normalize(x, p=2, dim=-1)
    x_norm = _l2norm(x)
    # resonance = x_norm @ signatures.T
    resonance = jnp.matmul(x_norm, phase_signatures.T)
    k = min(2, resonance.shape[-1])
    top_k_resonance, top_k_indices = jax.lax.top_k(resonance, k)
    weights = jnp.maximum(top_k_resonance, 0.0)  # relu
    return (weights, top_k_indices)

if __name__ == "__main__":
    import jax
    _d = setup_inputs()
    print(jax.jit(kernel)(*tuple(_d.values())))

</pallas_src>

<mosaic_0001>
#map = affine_map<(d0, d1) -> (0, 0)>
module attributes {stable_mosaic.version = 14 : i64} {
  func.func @sc_top2(%arg0: i32, %arg1: i32, %arg2: memref<8x32768xi32, #tpu.memory_space<hbm>>, %arg3: memref<2x32768xf32, #tpu.memory_space<hbm>>, %arg4: memref<2x32768xi32, #tpu.memory_space<hbm>>, %arg5: memref<8x1024xi32, #tpu.memory_space<vmem>>, %arg6: memref<2x1024xf32, #tpu.memory_space<vmem>>, %arg7: memref<2x1024xi32, #tpu.memory_space<vmem>>) attributes {dimension_semantics = [#tpu.dimension_semantics<core_parallel>, #tpu.dimension_semantics<subcore_parallel>], iteration_bounds = array<i64: 2, 16>, scalar_prefetch = 0 : i64, scratch_operands = 3 : i64, tpu.core_type = #tpu.core_type<sc_vector_subcore>, window_params = [{transform_indices = #map}, {transform_indices = #map}, {transform_indices = #map}]} {
    %mul3A = arith.constant 2 : i32
    %mul3A_0 = arith.muli %arg1, %mul3A : i32
    %add3A = arith.addi %mul3A_0, %arg0 : i32
    %mul3A_1 = arith.constant 1024 : i32
    %mul3A_2 = arith.muli %add3A, %mul3A_1 : i32
    "tpu.region"() ({
      %run_scoped3A = tpu.sem_alloc : memref<!tpu.dma_semaphore, #tpu.memory_space<semaphore_mem>>
      %dma_start3A = arith.constant 0 : i32
      %dma_start3A_8 = tpu.memref_slice %arg2[%dma_start3A, %mul3A_2] : memref<8x32768xi32, #tpu.memory_space<hbm>> -> memref<8x1024xi32, #tpu.memory_space<hbm>>
      %dma_start3A_9 = arith.constant 0 : i32
      %dma_start3A_10 = tpu.memref_slice %arg2[%dma_start3A_9, %mul3A_2] : memref<8x32768xi32, #tpu.memory_space<hbm>> -> memref<8x1024xi32, #tpu.memory_space<hbm>>
      tpu.enqueue_dma source(%dma_start3A_10 : memref<8x1024xi32, #tpu.memory_space<hbm>>) target(%arg5 : memref<8x1024xi32, #tpu.memory_space<vmem>>) target_semaphore(%run_scoped3A : memref<!tpu.dma_semaphore, #tpu.memory_space<semaphore_mem>>)
      %dma_wait3A = arith.constant 0 : i32
      %dma_wait3A_11 = tpu.memref_slice %arg2[%dma_wait3A, %mul3A_2] : memref<8x32768xi32, #tpu.memory_space<hbm>> -> memref<8x1024xi32, #tpu.memory_space<hbm>>
      %dma_wait3A_12 = arith.constant 0 : i32
      %dma_wait3A_13 = tpu.memref_slice %arg2[%dma_wait3A_12, %mul3A_2] : memref<8x32768xi32, #tpu.memory_space<hbm>> -> memref<8x1024xi32, #tpu.memory_space<hbm>>
      tpu.wait_dma2 semaphore(%run_scoped3A : memref<!tpu.dma_semaphore, #tpu.memory_space<semaphore_mem>>) src(%dma_wait3A_13 : memref<8x1024xi32, #tpu.memory_space<hbm>>) dst(%arg5 : memref<8x1024xi32, #tpu.memory_space<vmem>>)
      tpu.yield
    }) : () -> ()
    %scan3A = arith.constant 0 : i32
    %scan3A_3 = arith.constant 0 : i32
    %scan3A_4 = arith.constant 64 : i32
    %scan3A_5 = arith.addi %scan3A_3, %scan3A_4 : i32
    %scan3A_6 = arith.constant 1 : i32
    scf.for %scan3A_8 = %scan3A_3 to %scan3A_5 step %scan3A_6  : i32 {
      %mul3A_9 = arith.constant 16 : i32
      %mul3A_10 = arith.muli %scan3A_8, %mul3A_9 : i32
      %get3A = arith.constant 0 : i32
      %get3A_11 = arith.index_cast %get3A : i32 to index
      %get3A_12 = arith.index_cast %mul3A_10 : i32 to index
      %get3A_13 = tpu.vector_load %arg5[%get3A_11, %get3A_12] {strides = array<i32>} : memref<8x1024xi32, #tpu.memory_space<vmem>>, vector<1x16xi32>,
      %get3A_14 = vector.shape_cast %get3A_13 : vector<1x16xi32> to vector<16xi32>
      %get3A_15 = arith.constant 1 : i32
      %get3A_16 = arith.index_cast %get3A_15 : i32 to index
      %get3A_17 = arith.index_cast %mul3A_10 : i32 to index
      %get3A_18 = tpu.vector_load %arg5[%get3A_16, %get3A_17] {strides = array<i32>} : memref<8x1024xi32, #tpu.memory_space<vmem>>, vector<1x16xi32>,
      %get3A_19 = vector.shape_cast %get3A_18 : vector<1x16xi32> to vector<16xi32>
      %get3A_20 = arith.constant 2 : i32
      %get3A_21 = arith.index_cast %get3A_20 : i32 to index
      %get3A_22 = arith.index_cast %mul3A_10 : i32 to index
      %get3A_23 = tpu.vector_load %arg5[%get3A_21, %get3A_22] {strides = array<i32>} : memref<8x1024xi32, #tpu.memory_space<vmem>>, vector<1x16xi32>,
      %get3A_24 = vector.shape_cast %get3A_23 : vector<1x16xi32> to vector<16xi32>
      %get3A_25 = arith.constant 3 : i32
      %get3A_26 = arith.index_cast %get3A_25 : i32 to index
      %get3A_27 = arith.index_cast %mul3A_10 : i32 to index
      %get3A_28 = tpu.vector_load %arg5[%get3A_26, %get3A_27] {strides = array<i32>} : memref<8x1024xi32, #tpu.memory_space<vmem>>, vector<1x16xi32>,
      %get3A_29 = vector.shape_cast %get3A_28 : vector<1x16xi32> to vector<16xi32>
      %get3A_30 = arith.constant 4 : i32
      %get3A_31 = arith.index_cast %get3A_30 : i32 to index
      %get3A_32 = arith.index_cast %mul3A_10 : i32 to index
      %get3A_33 = tpu.vector_load %arg5[%get3A_31, %get3A_32] {strides = array<i32>} : memref<8x1024xi32, #tpu.memory_space<vmem>>, vector<1x16xi32>,
      %get3A_34 = vector.shape_cast %get3A_33 : vector<1x16xi32> to vector<16xi32>
      %get3A_35 = arith.constant 5 : i32
      %get3A_36 = arith.index_cast %get3A_35 : i32 to index
      %get3A_37 = arith.index_cast %mul3A_10 : i32 to index
      %get3A_38 = tpu.vector_load %arg5[%get3A_36, %get3A_37] {strides = array<i32>} : memref<8x1024xi32, #tpu.memory_space<vmem>>, vector<1x16xi32>,
      %get3A_39 = vector.shape_cast %get3A_38 : vector<1x16xi32> to vector<16xi32>
      %get3A_40 = arith.constant 6 : i32
      %get3A_41 = arith.index_cast %get3A_40 : i32 to index
      %get3A_42 = arith.index_cast %mul3A_10 : i32 to index
      %get3A_43 = tpu.vector_load %arg5[%get3A_41, %get3A_42] {strides = array<i32>} : memref<8x1024xi32, #tpu.memory_space<vmem>>, vector<1x16xi32>,
      %get3A_44 = vector.shape_cast %get3A_43 : vector<1x16xi32> to vector<16xi32>
      %get3A_45 = arith.constant 7 : i32
      %get3A_46 = arith.index_cast %get3A_45 : i32 to index
      %get3A_47 = arith.index_cast %mul3A_10 : i32 to index
      %get3A_48 = tpu.vector_load %arg5[%get3A_46, %get3A_47] {strides = array<i32>} : memref<8x1024xi32, #tpu.memory_space<vmem>>, vector<1x16xi32>,
      %get3A_49 = vector.shape_cast %get3A_48 : vector<1x16xi32> to vector<16xi32>
      %max3A = arith.maxsi %get3A_14, %get3A_19 : vector<16xi32>
      %max3A_50 = arith.maxsi %get3A_24, %get3A_29 : vector<16xi32>
      %max3A_51 = arith.maxsi %max3A, %max3A_50 : vector<16xi32>
      %max3A_52 = arith.maxsi %get3A_34, %get3A_39 : vector<16xi32>
      %max3A_53 = arith.maxsi %get3A_44, %get3A_49 : vector<16xi32>
      %max3A_54 = arith.maxsi %max3A_52, %max3A_53 : vector<16xi32>
      %max3A_55 = arith.maxsi %max3A_51, %max3A_54 : vector<16xi32>
      %broadcast_in_dim3A = arith.constant -2147483648 : i32
      %broadcast_in_dim3A_56 = vector.broadcast %broadcast_in_dim3A : i32 to vector<16xi32>
      %eq3A = arith.cmpi eq, %get3A_14, %max3A_55 : vector<16xi32>
      %select_n3A = arith.select %eq3A, %broadcast_in_dim3A_56, %get3A_14 : vector<16xi1>, vector<16xi32>
      %max3A_57 = arith.maxsi %broadcast_in_dim3A_56, %select_n3A : vector<16xi32>
      %eq3A_58 = arith.cmpi eq, %get3A_19, %max3A_55 : vector<16xi32>
      %select_n3A_59 = arith.select %eq3A_58, %broadcast_in_dim3A_56, %get3A_19 : vector<16xi1>, vector<16xi32>
      %max3A_60 = arith.maxsi %max3A_57, %select_n3A_59 : vector<16xi32>
      %eq3A_61 = arith.cmpi eq, %get3A_24, %max3A_55 : vector<16xi32>
      %select_n3A_62 = arith.select %eq3A_61, %broadcast_in_dim3A_56, %get3A_24 : vector<16xi1>, vector<16xi32>
      %max3A_63 = arith.maxsi %max3A_60, %select_n3A_62 : vector<16xi32>
      %eq3A_64 = arith.cmpi eq, %get3A_29, %max3A_55 : vector<16xi32>
      %select_n3A_65 = arith.select %eq3A_64, %broadcast_in_dim3A_56, %get3A_29 : vector<16xi1>, vector<16xi32>
      %max3A_66 = arith.maxsi %max3A_63, %select_n3A_65 : vector<16xi32>
      %eq3A_67 = arith.cmpi eq, %get3A_34, %max3A_55 : vector<16xi32>
      %select_n3A_68 = arith.select %eq3A_67, %broadcast_in_dim3A_56, %get3A_34 : vector<16xi1>, vector<16xi32>
      %max3A_69 = arith.maxsi %max3A_66, %select_n3A_68 : vector<16xi32>
      %eq3A_70 = arith.cmpi eq, %get3A_39, %max3A_55 : vector<16xi32>
      %select_n3A_71 = arith.select %eq3A_70, %broadcast_in_dim3A_56, %get3A_39 : vector<16xi1>, vector<16xi32>
      %max3A_72 = arith.maxsi %max3A_69, %select_n3A_71 : vector<16xi32>
      %eq3A_73 = arith.cmpi eq, %get3A_44, %max3A_55 : vector<16xi32>
      %select_n3A_74 = arith.select %eq3A_73, %broadcast_in_dim3A_56, %get3A_44 : vector<16xi1>, vector<16xi32>
      %max3A_75 = arith.maxsi %max3A_72, %select_n3A_74 : vector<16xi32>
      %eq3A_76 = arith.cmpi eq, %get3A_49, %max3A_55 : vector<16xi32>
      %select_n3A_77 = arith.select %eq3A_76, %broadcast_in_dim3A_56, %get3A_49 : vector<16xi1>, vector<16xi32>
      %max3A_78 = arith.maxsi %max3A_75, %select_n3A_77 : vector<16xi32>
      %and3A = arith.constant 7 : i32
      %and3A_79 = vector.broadcast %and3A : i32 to vector<16xi32>
      %and3A_80 = arith.andi %max3A_55, %and3A_79 : vector<16xi32>
      %sub3A = arith.constant 7 : i32
      %sub3A_81 = vector.broadcast %sub3A : i32 to vector<16xi32>
      %sub3A_82 = arith.subi %sub3A_81, %and3A_80 : vector<16xi32>
      %swap3A = arith.constant 0 : i32
      %swap3A_83 = arith.index_cast %swap3A : i32 to index
      %swap3A_84 = arith.index_cast %mul3A_10 : i32 to index
      %swap3A_85 = tpu.vector_load %arg7[%swap3A_83, %swap3A_84] {strides = array<i32>} : memref<2x1024xi32, #tpu.memory_space<vmem>>, vector<1x16xi32>,
      %swap3A_86 = vector.shape_cast %swap3A_85 : vector<1x16xi32> to vector<16xi32>
      %swap3A_87 = vector.shape_cast %sub3A_82 : vector<16xi32> to vector<1x16xi32>
      tpu.vector_store %arg7[%swap3A_83, %swap3A_84], %swap3A_87 {strides = array<i32>} : memref<2x1024xi32, #tpu.memory_space<vmem>>, vector<1x16xi32>,
      %and3A_88 = arith.constant -8 : i32
      %and3A_89 = vector.broadcast %and3A_88 : i32 to vector<16xi32>
      %and3A_90 = arith.andi %max3A_55, %and3A_89 : vector<16xi32>
      %shift_right_arithmetic3A = arith.constant 31 : i32
      %shift_right_arithmetic3A_91 = vector.broadcast %shift_right_arithmetic3A : i32 to vector<16xi32>
      %shift_right_arithmetic3A_92 = arith.shrsi %and3A_90, %shift_right_arithmetic3A_91 : vector<16xi32>
      %and3A_93 = arith.constant 2147483647 : i32
      %and3A_94 = vector.broadcast %and3A_93 : i32 to vector<16xi32>
      %and3A_95 = arith.andi %shift_right_arithmetic3A_92, %and3A_94 : vector<16xi32>
      %xor3A = arith.xori %and3A_90, %and3A_95 : vector<16xi32>
      %bitcast_convert_type3A = tpu.bitcast %xor3A : vector<16xi32> -> vector<16xf32>
      %max3A_96 = arith.constant 0.000000e+00 : f32
      %max3A_97 = vector.broadcast %max3A_96 : f32 to vector<16xf32>
      %max3A_98 = arith.maximumf %bitcast_convert_type3A, %max3A_97 : vector<16xf32>
      %swap3A_99 = arith.constant 0 : i32
      %swap3A_100 = arith.index_cast %swap3A_99 : i32 to index
      %swap3A_101 = arith.index_cast %mul3A_10 : i32 to index
      %swap3A_102 = tpu.vector_load %arg6[%swap3A_100, %swap3A_101] {strides = array<i32>} : memref<2x1024xf32, #tpu.memory_space<vmem>>, vector<1x16xf32>,
      %swap3A_103 = vector.shape_cast %swap3A_102 : vector<1x16xf32> to vector<16xf32>
      %swap3A_104 = vector.shape_cast %max3A_98 : vector<16xf32> to vector<1x16xf32>
      tpu.vector_store %arg6[%swap3A_100, %swap3A_101], %swap3A_104 {strides = array<i32>} : memref<2x1024xf32, #tpu.memory_space<vmem>>, vector<1x16xf32>,
      %and3A_105 = arith.constant 7 : i32
      %and3A_106 = vector.broadcast %and3A_105 : i32 to vector<16xi32>
      %and3A_107 = arith.andi %max3A_78, %and3A_106 : vector<16xi32>
      %sub3A_108 = arith.constant 7 : i32
      %sub3A_109 = vector.broadcast %sub3A_108 : i32 to vector<16xi32>
      %sub3A_110 = arith.subi %sub3A_109, %and3A_107 : vector<16xi32>
      %swap3A_111 = arith.constant 1 : i32
      %swap3A_112 = arith.index_cast %swap3A_111 : i32 to index
      %swap3A_113 = arith.index_cast %mul3A_10 : i32 to index
      %swap3A_114 = tpu.vector_load %arg7[%swap3A_112, %swap3A_113] {strides = array<i32>} : memref<2x1024xi32, #tpu.memory_space<vmem>>, vector<1x16xi32>,
      %swap3A_115 = vector.shape_cast %swap3A_114 : vector<1x16xi32> to vector<16xi32>
      %swap3A_116 = vector.shape_cast %sub3A_110 : vector<16xi32> to vector<1x16xi32>
      tpu.vector_store %arg7[%swap3A_112, %swap3A_113], %swap3A_116 {strides = array<i32>} : memref<2x1024xi32, #tpu.memory_space<vmem>>, vector<1x16xi32>,
      %and3A_117 = arith.constant -8 : i32
      %and3A_118 = vector.broadcast %and3A_117 : i32 to vector<16xi32>
      %and3A_119 = arith.andi %max3A_78, %and3A_118 : vector<16xi32>
      %shift_right_arithmetic3A_120 = arith.constant 31 : i32
      %shift_right_arithmetic3A_121 = vector.broadcast %shift_right_arithmetic3A_120 : i32 to vector<16xi32>
      %shift_right_arithmetic3A_122 = arith.shrsi %and3A_119, %shift_right_arithmetic3A_121 : vector<16xi32>
      %and3A_123 = arith.constant 2147483647 : i32
      %and3A_124 = vector.broadcast %and3A_123 : i32 to vector<16xi32>
      %and3A_125 = arith.andi %shift_right_arithmetic3A_122, %and3A_124 : vector<16xi32>
      %xor3A_126 = arith.xori %and3A_119, %and3A_125 : vector<16xi32>
      %bitcast_convert_type3A_127 = tpu.bitcast %xor3A_126 : vector<16xi32> -> vector<16xf32>
      %max3A_128 = arith.constant 0.000000e+00 : f32
      %max3A_129 = vector.broadcast %max3A_128 : f32 to vector<16xf32>
      %max3A_130 = arith.maximumf %bitcast_convert_type3A_127, %max3A_129 : vector<16xf32>
      %swap3A_131 = arith.constant 1 : i32
      %swap3A_132 = arith.index_cast %swap3A_131 : i32 to index
      %swap3A_133 = arith.index_cast %mul3A_10 : i32 to index
      %swap3A_134 = tpu.vector_load %arg6[%swap3A_132, %swap3A_133] {strides = array<i32>} : memref<2x1024xf32, #tpu.memory_space<vmem>>, vector<1x16xf32>,
      %swap3A_135 = vector.shape_cast %swap3A_134 : vector<1x16xf32> to vector<16xf32>
      %swap3A_136 = vector.shape_cast %max3A_130 : vector<16xf32> to vector<1x16xf32>
      tpu.vector_store %arg6[%swap3A_132, %swap3A_133], %swap3A_136 {strides = array<i32>} : memref<2x1024xf32, #tpu.memory_space<vmem>>, vector<1x16xf32>,
    }
    %scan3A_7 = arith.constant 64 : i32
    "tpu.region"() ({
      %run_scoped3A = tpu.sem_alloc : memref<!tpu.dma_semaphore, #tpu.memory_space<semaphore_mem>>
      %dma_start3A = arith.constant 0 : i32
      %dma_start3A_8 = tpu.memref_slice %arg3[%dma_start3A, %mul3A_2] : memref<2x32768xf32, #tpu.memory_space<hbm>> -> memref<2x1024xf32, #tpu.memory_space<hbm>>
      %dma_start3A_9 = arith.constant 0 : i32
      %dma_start3A_10 = tpu.memref_slice %arg3[%dma_start3A_9, %mul3A_2] : memref<2x32768xf32, #tpu.memory_space<hbm>> -> memref<2x1024xf32, #tpu.memory_space<hbm>>
      tpu.enqueue_dma source(%arg6 : memref<2x1024xf32, #tpu.memory_space<vmem>>) target(%dma_start3A_10 : memref<2x1024xf32, #tpu.memory_space<hbm>>) target_semaphore(%run_scoped3A : memref<!tpu.dma_semaphore, #tpu.memory_space<semaphore_mem>>)
      %dma_wait3A = arith.constant 0 : i32
      %dma_wait3A_11 = tpu.memref_slice %arg3[%dma_wait3A, %mul3A_2] : memref<2x32768xf32, #tpu.memory_space<hbm>> -> memref<2x1024xf32, #tpu.memory_space<hbm>>
      %dma_wait3A_12 = arith.constant 0 : i32
      %dma_wait3A_13 = tpu.memref_slice %arg3[%dma_wait3A_12, %mul3A_2] : memref<2x32768xf32, #tpu.memory_space<hbm>> -> memref<2x1024xf32, #tpu.memory_space<hbm>>
      tpu.wait_dma2 semaphore(%run_scoped3A : memref<!tpu.dma_semaphore, #tpu.memory_space<semaphore_mem>>) src(%arg6 : memref<2x1024xf32, #tpu.memory_space<vmem>>) dst(%dma_wait3A_13 : memref<2x1024xf32, #tpu.memory_space<hbm>>)
      tpu.yield
    }) : () -> ()
    "tpu.region"() ({
      %run_scoped3A = tpu.sem_alloc : memref<!tpu.dma_semaphore, #tpu.memory_space<semaphore_mem>>
      %dma_start3A = arith.constant 0 : i32
      %dma_start3A_8 = tpu.memref_slice %arg4[%dma_start3A, %mul3A_2] : memref<2x32768xi32, #tpu.memory_space<hbm>> -> memref<2x1024xi32, #tpu.memory_space<hbm>>
      %dma_start3A_9 = arith.constant 0 : i32
      %dma_start3A_10 = tpu.memref_slice %arg4[%dma_start3A_9, %mul3A_2] : memref<2x32768xi32, #tpu.memory_space<hbm>> -> memref<2x1024xi32, #tpu.memory_space<hbm>>
      tpu.enqueue_dma source(%arg7 : memref<2x1024xi32, #tpu.memory_space<vmem>>) target(%dma_start3A_10 : memref<2x1024xi32, #tpu.memory_space<hbm>>) target_semaphore(%run_scoped3A : memref<!tpu.dma_semaphore, #tpu.memory_space<semaphore_mem>>)
      %dma_wait3A = arith.constant 0 : i32
      %dma_wait3A_11 = tpu.memref_slice %arg4[%dma_wait3A, %mul3A_2] : memref<2x32768xi32, #tpu.memory_space<hbm>> -> memref<2x1024xi32, #tpu.memory_space<hbm>>
      %dma_wait3A_12 = arith.constant 0 : i32
      %dma_wait3A_13 = tpu.memref_slice %arg4[%dma_wait3A_12, %mul3A_2] : memref<2x32768xi32, #tpu.memory_space<hbm>> -> memref<2x1024xi32, #tpu.memory_space<hbm>>
      tpu.wait_dma2 semaphore(%run_scoped3A : memref<!tpu.dma_semaphore, #tpu.memory_space<semaphore_mem>>) src(%arg7 : memref<2x1024xi32, #tpu.memory_space<vmem>>) dst(%dma_wait3A_13 : memref<2x1024xi32, #tpu.memory_space<hbm>>)
      tpu.yield
    }) : () -> ()
    return
  }
}

module attributes {stable_mosaic.version = 14 : i64} {
  func.func @_score_block(%arg0: i32, %arg1: memref<4096x768xf32, #tpu.memory_space<vmem>>, %arg2: memref<8x768xf32, #tpu.memory_space<vmem>>, %arg3: memref<8x4096xi32, #tpu.memory_space<vmem>>) attributes {dimension_semantics = [#tpu.dimension_semantics<arbitrary>], iteration_bounds = array<i64: 8>, scalar_prefetch = 0 : i64, scratch_operands = 0 : i64, tpu.core_type = #tpu.core_type<tc>, window_params = [{transform_indices = @transform_0, window_bounds = array<i64: 4096, 768>}, {pipeline_mode = #tpu.pipeline_mode<synchronous>, transform_indices = @transform_1, window_bounds = array<i64: 8, 768>}, {transform_indices = @transform_2, window_bounds = array<i64: 8, 4096>}]} {
    %get3A = arith.constant 0 : index
    %get3A_0 = arith.constant 0 : index
    %get3A_1 = vector.load %arg1[%get3A, %get3A_0] : memref<4096x768xf32, #tpu.memory_space<vmem>>, vector<4096x768xf32>
    %get3A_2 = arith.constant 0 : index
    %get3A_3 = arith.constant 0 : index
    %get3A_4 = vector.load %arg2[%get3A_2, %get3A_3] : memref<8x768xf32, #tpu.memory_space<vmem>>, vector<8x768xf32>
    %mul3A = arith.mulf %get3A_1, %get3A_1 : vector<4096x768xf32>
    %reduce_sum3A = arith.constant dense<0.000000e+00> : vector<4096xf32>
    %reduce_sum3A_5 = vector.multi_reduction <add>, %mul3A, %reduce_sum3A [1] : vector<4096x768xf32> to vector<4096xf32>
    %broadcast_in_dim3A = vector.shape_cast %reduce_sum3A_5 : vector<4096xf32> to vector<4096x1xf32>
    %max3A = arith.constant 1.000000e-24 : f32
    %max3A_6 = vector.broadcast %max3A : f32 to vector<4096x1xf32>
    %max3A_7 = arith.maximumf %broadcast_in_dim3A, %max3A_6 : vector<4096x1xf32>
    %rsqrt3A = math.rsqrt %max3A_7 : vector<4096x1xf32>
    %mul3A_8 = vector.broadcast %rsqrt3A : vector<4096x1xf32> to vector<4096x768xf32>
    %mul3A_9 = arith.mulf %get3A_1, %mul3A_8 : vector<4096x768xf32>
    %dot_general3A = arith.constant dense<0.000000e+00> : vector<8x4096xf32>
    %dot_general3A_10 = tpu.matmul %get3A_4, %mul3A_9, %dot_general3A {dimension_numbers = #tpu.dot_dimension_numbers<[1], [1], [0], [0], [0, 0, 1, 0], [], []>, transpose_lhs_hint = false} : vector<8x768xf32>, vector<4096x768xf32>, vector<8x4096xf32> -> vector<8x4096xf32>
    %bitcast_convert_type3A = tpu.bitcast %dot_general3A_10 : vector<8x4096xf32> -> vector<8x4096xi32>
    %shift_right_arithmetic3A = arith.constant 31 : i32
    %shift_right_arithmetic3A_11 = vector.broadcast %shift_right_arithmetic3A : i32 to vector<8x4096xi32>
    %shift_right_arithmetic3A_12 = arith.shrsi %bitcast_convert_type3A, %shift_right_arithmetic3A_11 : vector<8x4096xi32>
    %and3A = arith.constant 2147483647 : i32
    %and3A_13 = vector.broadcast %and3A : i32 to vector<8x4096xi32>
    %and3A_14 = arith.andi %shift_right_arithmetic3A_12, %and3A_13 : vector<8x4096xi32>
    %xor3A = arith.xori %bitcast_convert_type3A, %and3A_14 : vector<8x4096xi32>
    %iota3A = tpu.iota {dimensions = array<i32: 0>} : vector<8x4096xi32>
    %sub3A = arith.constant 7 : i32
    %sub3A_15 = vector.broadcast %sub3A : i32 to vector<8x4096xi32>
    %sub3A_16 = arith.subi %sub3A_15, %iota3A : vector<8x4096xi32>
    %and3A_17 = arith.constant -8 : i32
    %and3A_18 = vector.broadcast %and3A_17 : i32 to vector<8x4096xi32>
    %and3A_19 = arith.andi %xor3A, %and3A_18 : vector<8x4096xi32>
    %or3A = arith.ori %and3A_19, %sub3A_16 : vector<8x4096xi32>
    %swap3A = arith.constant 0 : index
    %swap3A_20 = arith.constant 0 : index
    %swap3A_21 = vector.load %arg3[%swap3A, %swap3A_20] : memref<8x4096xi32, #tpu.memory_space<vmem>>, vector<8x4096xi32>
    tpu.vector_store %arg3[%swap3A, %swap3A_20], %or3A {strides = array<i32>} : memref<8x4096xi32, #tpu.memory_space<vmem>>, vector<8x4096xi32>,
    return
  }
  func.func @transform_0(%arg0: i32) -> (i32, i32) {
    %c0_i32 = arith.constant 0 : i32
    %c0_i32_0 = arith.constant 0 : i32
    return %arg0, %c0_i32 : i32, i32
  }
  func.func @transform_1(%arg0: i32) -> (i32, i32) {
    %c0_i32 = arith.constant 0 : i32
    %c0_i32_0 = arith.constant 0 : i32
    %c0_i32_1 = arith.constant 0 : i32
    return %c0_i32, %c0_i32_0 : i32, i32
  }
  func.func @transform_2(%arg0: i32) -> (i32, i32) {
    %c0_i32 = arith.constant 0 : i32
    %c0_i32_0 = arith.constant 0 : i32
    return %c0_i32, %arg0 : i32, i32
  }
}

</mosaic_0001>

<sc_bundles>
// kernel: kernel.4.cloned.1.call-start
scs
__scs_entry_jumppad:
0x0: {  	(pc) =	sbr.rel $0x88, $3  }
0x1: {  	(tag) =	ssettag $0x0;
	lr =	simm.s32 $0x1  }
0x2: {  	[smem:$0x3F9F] =	sst lr;
	_ =	strace $0xD0000000  }
0x3: {  	_ = 	snop  }
0x4: {  	_ = 	snop  }
0x5: {  	_ = 	snop  }
0x6: {  	_ = 	snop  }
0x7: {  	_ = 	snop  }
__scs_overlays_trampoline_lowered:
0x8: {  	[smem:$0x3FAE] =	sst s0  }
0x9: {  	[smem:$0x3FAF] =	sst s1  }
0xa: {  	[smem:$0x3FB0] =	sst s2  }
0xb: {  	[smem:$0x3FB1] =	sst s3  }
0xc: {  	[smem:$0x3FB2] =	sst s4  }
0xd: {  	[smem:$0x3FB3] =	sst s5  }
0xe: {  	[smem:$0x3FB4] =	sst s6  }
0xf: {  	[smem:$0x3FB5] =	sst s7  }
0x10: {  	[smem:$0x3FB6] =	sst s8  }
0x11: {  	[smem:$0x3FB7] =	sst s9;
	s0 =	simm.s32 @!p0 $0x0  }
0x12: {  	s1 =	sld [smem:$0x3F9D];
	s0 =	simm.s32 @p0 $0x1  }
0x13: {  	[smem:$0x3FB8] =	sst s0;
	s0 =	simm.s32 @!p1 $0x0  }
0x14: {  	s2 =	sld [smem:$0x3F9C];
	s0 =	simm.s32 @p1 $0x1  }
0x15: {  	[smem:$0x3FB9] =	sst s0;
	s0 =	simm.s32 @!p2 $0x0  }
0x16: {  	s3 =	sld [smem:$0x3FDB];
	s0 =	simm.s32 @p2 $0x1  }
0x17: {  	s4 =	simm.s32 $0x1BF5;
	[smem:$0x3FBB] =	sst s0  }
0x18: {  	s0 =	sld [smem:$0x3F9E];
	_ =	swait.ge [sflag:s4], $0x0  }
0x19: {  	s7 =	sld [smem:$0x3F9F]  }
0x1a: {  	s8 =	sadd.s32 $0xFFFFE003, lr  }
0x1b: {  	s9 =	sadd.s32 $0xFFFFFEF7, lr;
	s5 =	simm.s32 $0xFFFFFFFF;
	p2 =	slt.u32 s8, $0xFFFFF086  }
0x1c: {  	p1 =	slt.u32 s9, $0xF7A;
	s5 =	simm.s32 @!p2 $0x0  }
0x1d: {  	s5 =	simm.s32 @p1 $0x1;
	p0 =	seq.s32 s7, s2  }
0x1e: {  	s7 =	smul.u32 @!p0 $0xF7A, s2;
	p2 =	seq.s32 @!p0 s5, $0x0  }
0x1f: {  	s9 =	smul.u32 $0xF7A, s1;
	s8 =	simm.s32 @!p0 $0x1BF5;
	p2 =	por !p2, p0  }
0x20: {  	[sflag:s8] =	ssyncset.s32 @!p0 $0xFFFFF086;
	s6 =	sadd.s32 @!p0 s3, s7;
	s7 =	simm.s32 @!p0 $0x108  }
0x21: {  	s3 =	sadd.s32 s3, s9;
	s6 =	sadd.s32 @!p0 $0x88, s6;
	s7 =	simm.s32 @p2 $0x1082  }
0x22: {  	[simem:s7], [sflag:s8] =	dma.local @!p0 [hbm:s6], $0xF7A  }
0x23: {  	s9 =	sor.u32 $0xD0000000, s2;
	s6 =	simm.s32 $0x108;
	_ =	swait.ge @!p0 [sflag:s8], $0x0  }
0x24: {  	s3 =	sadd.s32 $0x88, s3;
	s6 =	simm.s32 @!p1 $0x1082;
	[sflag:s4] =	ssyncset.s32 $0xFFFFF086  }
0x25: {  	[simem:s6], [sflag:s4] =	dma.local [hbm:s3], $0xF7A  }
0x26: {  	[smem:$0x3F9F] =	sst s1;
	(tag) =	ssettag s2;
	_ =	strace s9  }
0x27: {  	s1 =	sld [smem:$0x3FAF]  }
0x28: {  	s2 =	sld [smem:$0x3FB0]  }
0x29: {  	s4 =	sld [smem:$0x3FB2]  }
0x2a: {  	p0 =	seq.s32 s5, $0x0;
	s5 =	sld [smem:$0x3FB3]  }
0x2b: {  	s6 =	sld [smem:$0x3FB4]  }
0x2c: {  	s7 =	sld [smem:$0x3FB5]  }
0x2d: {  	s3 =	simm.s32 $0x108;
	s8 =	sld [smem:$0x3FB6]  }
0x2e: {  	s3 =	simm.s32 @!p0 $0x1082;
	s9 =	sld [smem:$0x3FB7]  }
0x2f: {  	lr =	sadd.s32 s0, s3;
	s0 =	sld [smem:$0x3FAE]  }
0x30: {  	s3 =	sld [smem:$0x3FB1]  }
0x31: {  	[smem:$0x3FBA] =	sst s10  }
0x32: {  	s10 =	sld [smem:$0x3FB8];
	_ =	sdelay $0x3  }
0x33: {  	p0 =	seq.s32 s10, $0x1;
	s10 =	sld [smem:$0x3FBA];
	_ =	sdelay $0x3  }
0x34: {  	[smem:$0x3FBA] =	sst s10  }
0x35: {  	s10 =	sld [smem:$0x3FB9];
	_ =	sdelay $0x3  }
0x36: {  	p1 =	seq.s32 s10, $0x1;
	s10 =	sld [smem:$0x3FBA];
	_ =	sdelay $0x3  }
0x37: {  	[smem:$0x3FBA] =	sst s10  }
0x38: {  	s10 =	sld [smem:$0x3FBB]  }
0x39: {  	_ = 	snop;
	(pc) =	sbr.ind lr, $3  }
0x3a: {  	_ = 	snop  }
0x3b: {  	_ = 	snop  }
0x3c: {  	p2 =	seq.s32 s10, $0x1;
	s10 =	sld [smem:$0x3FBA]  }
0x3d: {  	_ =	shalt  }
0x3e: {  	_ =	shalt  }
0x3f: {  	_ =	shalt  }
0x40: {  	_ =	shalt  }
0x41: {  	_ =	shalt  }
0x42: {  	_ =	shalt  }
0x43: {  	_ =	shalt  }
0x44: {  	_ =	shalt  }
0x45: {  	_ =	shalt  }
0x46: {  	_ =	shalt  }
0x47: {  	_ =	shalt  }
0x48: {  	_ =	shalt  }
0x49: {  	_ =	shalt  }
0x4a: {  	_ =	shalt  }
0x4b: {  	_ =	shalt  }
0x4c: {  	_ =	shalt  }
0x4d: {  	_ =	shalt  }
0x4e: {  	_ =	shalt  }
0x4f: {  	_ =	shalt  }
0x50: {  	_ =	shalt  }
0x51: {  	_ =	shalt  }
0x52: {  	_ =	shalt  }
0x53: {  	_ =	shalt  }
0x54: {  	_ =	shalt  }
0x55: {  	_ =	shalt  }
0x56: {  	_ =	shalt  }
0x57: {  	_ =	shalt  }
0x58: {  	_ =	shalt  }
0x59: {  	_ =	shalt  }
0x5a: {  	_ =	shalt  }
0x5b: {  	_ =	shalt  }
0x5c: {  	_ =	shalt  }
0x5d: {  	_ =	shalt  }
0x5e: {  	_ =	shalt  }
0x5f: {  	_ =	shalt  }
0x60: {  	_ =	shalt  }
0x61: {  	_ =	shalt  }
0x62: {  	_ =	shalt  }
0x63: {  	_ =	shalt  }
0x64: {  	_ =	shalt  }
0x65: {  	_ =	shalt  }
0x66: {  	_ =	shalt  }
0x67: {  	_ =	shalt  }
0x68: {  	_ =	shalt  }
0x69: {  	_ =	shalt  }
0x6a: {  	_ =	shalt  }
0x6b: {  	_ =	shalt  }
0x6c: {  	_ =	shalt  }
0x6d: {  	_ =	shalt  }
0x6e: {  	_ =	shalt  }
0x6f: {  	_ =	shalt  }
0x70: {  	_ =	shalt  }
0x71: {  	_ =	shalt  }
0x72: {  	_ =	shalt  }
0x73: {  	_ =	shalt  }
0x74: {  	_ =	shalt  }
0x75: {  	_ =	shalt  }
0x76: {  	_ =	shalt  }
0x77: {  	_ =	shalt  }
0x78: {  	_ =	shalt  }
0x79: {  	_ =	shalt  }
0x7a: {  	_ =	shalt  }
0x7b: {  	_ =	shalt  }
0x7c: {  	_ =	shalt  }
0x7d: {  	_ =	shalt  }
0x7e: {  	_ =	shalt  }
0x7f: {  	_ =	shalt  }
0x80: {  	_ =	shalt  }
0x81: {  	_ =	shalt  }
0x82: {  	_ =	shalt  }
0x83: {  	_ =	shalt  }
0x84: {  	_ =	shalt  }
0x85: {  	_ =	shalt  }
0x86: {  	_ =	shalt  }
0x87: {  	_ =	shalt  }
.Lfunc_end0:
.L_simem_size_0:
called_computation_lowered:
.L_overlay_start_0:
0x88: {  	s2 =	sld [smem:$0x3FD9]  }
0x89: {  	s3 =	sld [smem:$0x3FFE];
	_ =	sdelay $0x1  }
0x8a: {  	s1 =	srdreg.scid  }
0x8b: {  	s0 =	sand.u32 $0x1, s1  }
0x8c: {  	s14 =	sshll.u32 s0, $0xA;
	s2 =	sadd.s32 s3, s2  }
0x8d: {  	s2 =	sadd.s32 s2, s14  }
0x8e: {  	[smem:$0x3FC6] =	sst s2  }
0x8f: {  	_ = 	snop  }
0x90: {  	s2 =	sld [smem:$0x3FD0];
	_ =	sdelay $0x2  }
0x91: {  	s15 =	simm.s32 $0xA;
	s4 =	simm.s32 $0x10  }
0x92: {  	[smem:s4], [sflag:s15] =	dma.local [hbm:s2], $0x1  }
0x93: {  	_ =	swait.eq [sflag:s15], $0x1  }
0x94: {  	[sflag:s15] =	ssyncset.done $0x0  }
0x95: {  	s16 =	sld [smem:$0x10];
	[sflag:s15] =	ssyncadd.s32 $0xFFFFFFFF  }
0x96: {  	s17 =	sld [smem:$0x11];
	(tm) =	ssettm $0x1  }
0x97: {  	s18 =	sld [smem:$0x3FFB];
	_ =	sdelay $0x3  }
0x98: {  	_ =	strace s18  }
0x99: {  	s4 =	sld [smem:$0x3FFC];
	_ =	sdelay $0x3  }
0x9a: {  	_ =	strace s4  }
0x9b: {  	s4 =	sld [smem:$0x3FFD];
	_ =	sdelay $0x3  }
0x9c: {  	_ =	strace s4  }
0x9d: {  	_ =	strace $0x8FFFFFFF  }
0x9e: {  	s19 =	sld [smem:$0x3FDB];
	_ =	sdelay $0x1  }
0x9f: {  	s5 =	simm.s32 $_scs_section_size  }
0xa0: {  	s6 =	simm.s32 $_size__tile_overlayer_lowered;
	s7 =	simm.s32 $_tile_overlayer_lowered  }
0xa1: {  	s22 =	simm.s32 $0x1BFF;
	s21 =	sshll.u32 s7, $0x1;
	s4 =	sadd.s32 s5, s19  }
0xa2: {  	s8 =	simm.s32 $0x0;
	s20 =	sshll.u32 s6, $0x1;
	s6 =	sadd.s32 s21, s4  }
0xa3: {  	[timem:s8], [sflag:s22] =	dma.local [hbm:s6], s20  }
0xa4: {  	_ =	swait.ge [sflag:s22], s20  }
0xa5: {  	s5 =	ssub.s32 $0x0, s20;
	[sflag:s22] =	ssyncset.done $0x0  }
0xa6: {  	[sflag:s22] =	ssyncadd.s32 s5;
	_ =	sdelay $0x1  }
0xa7: {  	s23 =	simm.s32 $0x1B8B  }
0xa8: {  	_ =	swait.ge [sflag:s23], $0x1  }
0xa9: {  	[sflag:s23] =	ssyncset.done $0x0  }
0xaa: {  	s25 =	simm.s32 $0x1B8E;
	s24 =	sld [smem:$0x3FFE];
	[sflag:s23] =	ssyncadd.s32 $0xFFFFFFFF  }
0xab: {  	s26 =	simm.s32 $execute0_lowered;
	[smem:$0x3FD2] =	sst s25  }
0xac: {  	s6 =	sshll.u32 s26, $0x1;
	_ =	strace $0x80000046;
	[dreg:$0x1] =	wrdreg $0xFFFFFFFF  }
0xad: {  	s28 =	simm.s32 $_size_execute0_lowered;
	s4 =	sadd.s32 s4, s6;
	[dreg:$0x0] =	wrdreg $0x0  }
0xae: {  	s6 =	sshll.u32 s28, $0x1;
	[dreg:$0x2] =	wrdreg s4  }
0xaf: {  	[dreg:$0x3] =	wrdreg s6  }
0xb0: {  	[dreg:$0x4] =	wrdreg $0xC0  }
0xb1: {  	_ =	task [dreg:s8], $0x5FFFF  }
0xb2: {  	[dreg:$0x1] =	wrdreg $0xFFFFFFFF  }
0xb3: {  	[dreg:$0x0] =	wrdreg $0x60  }
0xb4: {  	[dreg:$0x2] =	wrdreg s24  }
0xb5: {  	[dreg:$0x3] =	wrdreg s16  }
0xb6: {  	[dreg:$0x4] =	wrdreg s17  }
0xb7: {  	[dreg:$0x5] =	wrdreg $0x9  }
0xb8: {  	_ =	task.clear_ibuf [dreg:s8], $0x6FFFF;
	_ =	strace $0x90000046  }
0xb9: {  	s29 =	simm.s32 $0x9;
	_ =	strace $0x80000048  }
0xba: {  	_ =	swait.ge [sflag:s29], $0x1  }
0xbb: {  	[sflag:s29] =	ssyncadd.s32 $0xFFFFFFFF  }
0xbc: {  	_ =	strace $0x90000048  }
0xbd: {  	_ =	sfence  }
0xbe: {  	s30 =	sld [smem:$0x0];
	_ =	sdelay $0x2  }
0xbf: {  	s31 =	sshll.u32 s1, $0xD;
	s1 =	sshrl.u32 s1, $0x2  }
0xc0: {  	s3 =	sand.u32 $0x4000, s31;
	s1 =	sadd.s32 s1, s30  }
0xc1: {  	s0 =	sor.u32 s3, s0;
	s1 =	sshll.u32 s1, $0x11  }
0xc2: {  	s0 =	sor.u32 s1, s0  }
0xc3: {  	s0 =	sadd.s32 $0x8F2B, s0  }
0xc4: {  	[sflag:s0] =	ssyncadd.remote.s32 $0x1  }
0xc5: {  	_ =	sfence.sel $0xFFFF  }
0xc6: {  	[dreg:$0x0] =	wrdreg $0xFFFFFFFF;
	(pc) =	sbr.abs _section_cstart, $3  }
0xc7: {  	[dreg:$0x1] =	wrdreg $0xFFFFFFFF  }
0xc8: {  	_ =	task.clear_ibuf [dreg:s8], $0x2FFFF;
	_ =	strace $0x9FFFFFFF  }
0xc9: {  	(tm) =	ssettm $0x7FFFFFFF  }
tec
execute0_lowered:
.L_overlay_start_1:
0x0: {  	(tag) =	ssettag $0x1  }
0x1: {  	s3 =	rddreg [dreg:$0x0]  }
0x2: {  	s4 =	rddreg [dreg:$0x1]  }
0x3: {  	s5 =	rddreg [dreg:$0x2]  }
0x4: {  	s0 =	rddreg [dreg:$0x3];
	s6 =	srdreg.scid  }
0x5: {  	s2 =	simm.s32 $0x0;
	s1 =	stileid.u32;
	s9 =	simm.s32 $0x2800  }
0x6: {  	s10 =	simm.s32 $0x0;
	s6 =	sand.u32 $0x1, s6;
	[smem:$0x7FF] =	sst s2  }
0x7: {  	s7 =	sshll.u32 s1, $0xB;
	s8 =	sshll.u32 s6, $0xA;
	s6 =	ssub.s32 $0x2, s6  }
0x8: {  	_ =	strace $0x80000047;
	s7 =	sor.u32 s8, s7;
	s31 =	sshrl.u32 s6, $0x1  }
0x9: {  	s8 =	simm.s32 $0x2000;
	s3 =	sadd.s32 s7, s3;
	s7 =	sshrl.u32 s7, $0x2  }
0xa: {  	s6 =	ssub.s32 s6, s31;
	s3 =	sadd.s32 $0xC00, s3;
	s4 =	sadd.s32 s4, s7  }
0xb: {  	s5 =	sadd.s32 s5, s7;
	s6 =	smax.u32 s6, $0x1;
	s7 =	simm.s32 $0x1  }
.LBB2_1:
0xc: {  	[tilespmem:s2], [sflag:$0x1] =	stream.linear.gather [hbm4b:s3+s2], $0x2000, $0x38;
	[tilespmem:$0x3000] =	vst v63  }
0xd: {  	s11 =	simm.s32 $0x0;
	_ =	swait.ge [sflag:s7], $0x2000  }
0xe: {  	s14 =	sand.u32 $0x70, s2;
	s11 =	sand.u32 $0x3FFFFC00, s11;
	[sflag:s7] =	ssyncset.done $0x0  }
0xf: {  	s16 =	sor.u32 s14, s11;
	[sflag:s7] =	ssyncadd.s32 $0xFFFFE000  }
0x10: {  	v4 =	vld [tilespmem:s16+$0x80]  }
0x11: {  	v3 =	vld [tilespmem:s16+$0x0]  }
0x12: {  	v2 =	vld [tilespmem:s16+$0x100]  }
0x13: {  	v1 =	vld [tilespmem:s16+$0x180]  }
0x14: {  	s12 =	simm.s32 $0x1;
	s13 =	simm.s32 $0x0;
	s11 =	simm.s32 $0x0;
	v0 =	vld [tilespmem:s16+$0x200]  }
.LBB2_2:
0x15: {  	p0 =	sne.s32 s12, $0x3F;
	v5 =	vld [tilespmem:s16+$0x280]  }
0x16: {  	v6 =	vld [tilespmem:s16+$0x300]  }
0x17: {  	v7 =	vld [tilespmem:s16+$0x380];
	_ =	sdelay $0x2  }
0x18: {  	vm0 =	vgt.s32 v3, v4  }
0x19: {  	v8 =	vsel vm0, v3, v4  }
0x1a: {  	vm0 =	vgt.s32 v2, v1;
	vm1 =	vgt.s32 v0, v5;
	vm2 =	vgt.s32 v6, v7  }
0x1b: {  	v9 =	vsel vm0, v2, v1;
	v10 =	vsel vm1, v0, v5;
	v11 =	vsel vm2, v6, v7  }
0x1c: {  	vm0 =	vgt.s32 v8, v9;
	vm1 =	vgt.s32 v10, v11  }
0x1d: {  	v8 =	vsel vm0, v8, v9;
	v9 =	vsel vm1, v10, v11  }
0x1e: {  	vm0 =	vgt.s32 v8, v9  }
0x1f: {  	s15 =	sshll.u32 s11, $0x5;
	s11 =	smov.u32 s12;
	v8 =	vsel vm0, v8, v9  }
0x20: {  	s15 =	sand.u32 $0xFFFFFF00, s15;
	vm0 =	veq.s32 v4, v8;
	v9 =	vand.u32 $0xFFFFFFF8, v8;
	v10 =	vshra.s32 v8, $0x1F  }
0x21: {  	s15 =	sor.u32 s14, s15;
	v11 =	vandn.u32 $0x7, v8;
	v4 =	vsel vm0, $0x80000000, v4;
	v10 =	vand.u32 $0x7FFFFFFF, v10  }
0x22: {  	vm0 =	vgt.s32 v3, v4;
	[tilespmem:s15+$0x2800] =	vst v11;
	v9 =	vxor.u32 v9, v10  }
0x23: {  	vm1 =	veq.s32 v3, v8;
	v3 =	vsel vm0, v3, v4;
	v9 =	vmax.f32 v9, $0.0e+00  }
0x24: {  	v3 =	vsel vm1, v4, v3;
	[tilespmem:s15+$0x2000] =	vst v9  }
0x25: {  	vm0 =	vgt.s32 v3, v2  }
0x26: {  	vm1 =	veq.s32 v2, v8;
	v2 =	vsel vm0, v3, v2  }
0x27: {  	v2 =	vsel vm1, v3, v2  }
0x28: {  	vm0 =	vgt.s32 v2, v1  }
0x29: {  	vm1 =	veq.s32 v1, v8;
	v1 =	vsel vm0, v2, v1  }
0x2a: {  	v1 =	vsel vm1, v2, v1  }
0x2b: {  	vm0 =	vgt.s32 v1, v0  }
0x2c: {  	vm1 =	veq.s32 v0, v8;
	v0 =	vsel vm0, v1, v0  }
0x2d: {  	v0 =	vsel vm1, v1, v0  }
0x2e: {  	vm0 =	vgt.s32 v0, v5  }
0x2f: {  	vm1 =	veq.s32 v5, v8;
	v1 =	vsel vm0, v0, v5  }
0x30: {  	v0 =	vsel vm1, v0, v1  }
0x31: {  	vm0 =	vgt.s32 v0, v6  }
0x32: {  	vm1 =	veq.s32 v6, v8;
	v1 =	vsel vm0, v0, v6  }
0x33: {  	v0 =	vsel vm1, v0, v1  }
0x34: {  	vm0 =	vgt.s32 v0, v7  }
0x35: {  	vm1 =	veq.s32 v7, v8;
	v1 =	vsel vm0, v0, v7  }
0x36: {  	v0 =	vsel vm1, v0, v1  }
0x37: {  	v1 =	vandn.u32 $0x7, v0;
	v2 =	vshra.s32 v0, $0x1F  }
0x38: {  	v0 =	vand.u32 $0xFFFFFFF8, v0;
	[tilespmem:s15+$0x2880] =	vst v1;
	v1 =	vand.u32 $0x7FFFFFFF, v2  }
0x39: {  	s13 =	sadd.s32 $0x10, s13;
	s16 =	sshll.u32 s12, $0x7;
	v0 =	vxor.u32 v0, v1  }
0x3a: {  	s14 =	sand.u32 $0x70, s13;
	s16 =	sand.u32 $0x3FFFFC00, s16;
	v0 =	vmax.f32 v0, $0.0e+00  }
0x3b: {  	s16 =	sor.u32 s14, s16;
	[tilespmem:s15+$0x2080] =	vst v0  }
.Ltmp0:
0x3c: {  	v4 =	vld [tilespmem:s16+$0x80];
	(pc) =	sbr.rel @p0 .LBB2_2-.Ltmp0, $4  }
0x3d: {  	v3 =	vld [tilespmem:s16+$0x0]  }
0x3e: {  	v2 =	vld [tilespmem:s16+$0x100]  }
0x3f: {  	v1 =	vld [tilespmem:s16+$0x180]  }
0x40: {  	s12 =	sadd.s32 $0x1, s12;
	v0 =	vld [tilespmem:s16+$0x200]  }
0x41: {  	v5 =	vld [tilespmem:s16+$0x280]  }
0x42: {  	v6 =	vld [tilespmem:s16+$0x300]  }
0x43: {  	v7 =	vld [tilespmem:s16+$0x380];
	_ =	sdelay $0x2  }
0x44: {  	vm0 =	vgt.s32 v3, v4  }
0x45: {  	v8 =	vsel vm0, v3, v4  }
0x46: {  	vm14 =	vgt.s32 v2, v1;
	vm1 =	vgt.s32 v0, v5;
	vm2 =	vgt.s32 v6, v7  }
0x47: {  	v9 =	vsel vm14, v2, v1;
	v10 =	vsel vm1, v0, v5;
	v11 =	vsel vm2, v6, v7  }
0x48: {  	vm0 =	vgt.s32 v8, v9;
	vm1 =	vgt.s32 v10, v11  }
0x49: {  	v8 =	vsel vm0, v8, v9;
	v51 =	vsel vm1, v10, v11  }
0x4a: {  	vm0 =	vgt.s32 v8, v51  }
0x4b: {  	v8 =	vsel vm0, v8, v51  }
0x4c: {  	vm0 =	veq.s32 v4, v8  }
0x4d: {  	v4 =	vsel vm0, $0x80000000, v4  }
0x4e: {  	vm0 =	vgt.s32 v3, v4  }
0x4f: {  	vm15 =	veq.s32 v3, v8;
	v52 =	vsel vm0, v3, v4  }
0x50: {  	v3 =	vsel vm15, v4, v52  }
0x51: {  	vm4 =	vgt.s32 v3, v2  }
0x52: {  	vm5 =	veq.s32 v2, v8;
	v53 =	vsel vm4, v3, v2  }
0x53: {  	v2 =	vsel vm5, v3, v53  }
0x54: {  	vm6 =	vgt.s32 v2, v1  }
0x55: {  	vm7 =	veq.s32 v1, v8;
	v54 =	vsel vm6, v2, v1  }
0x56: {  	v1 =	vsel vm7, v2, v54  }
0x57: {  	vm8 =	vgt.s32 v1, v0  }
0x58: {  	vm9 =	veq.s32 v0, v8;
	v55 =	vsel vm8, v1, v0  }
0x59: {  	v0 =	vsel vm9, v1, v55  }
0x5a: {  	vm10 =	vgt.s32 v0, v5  }
0x5b: {  	vm11 =	veq.s32 v5, v8;
	v1 =	vsel vm10, v0, v5  }
0x5c: {  	v0 =	vsel vm11, v0, v1  }
0x5d: {  	vm12 =	vgt.s32 v0, v6  }
0x5e: {  	vm13 =	veq.s32 v6, v8;
	v1 =	vsel vm12, v0, v6  }
0x5f: {  	v0 =	vsel vm13, v0, v1  }
0x60: {  	vm14 =	vgt.s32 v0, v7  }
0x61: {  	s11 =	sshll.u32 s11, $0x5;
	v56 =	vshra.s32 v8, $0x1F;
	vm15 =	veq.s32 v7, v8;
	v57 =	vsel vm14, v0, v7  }
0x62: {  	s11 =	sand.u32 $0xFFFFFF00, s11;
	v58 =	vand.u32 $0xFFFFFFF8, v8;
	v1 =	vand.u32 $0x7FFFFFFF, v56;
	v0 =	vsel vm15, v0, v57  }
0x63: {  	s11 =	sor.u32 s14, s11;
	v59 =	vandn.u32 $0x7, v8;
	v1 =	vxor.u32 v58, v1;
	v60 =	vshra.s32 v0, $0x1F  }
0x64: {  	[tilespmem:s11+$0x2800] =	vst v59;
	v1 =	vmax.f32 v1, $0.0e+00;
	v61 =	vand.u32 $0xFFFFFFF8, v0;
	v3 =	vand.u32 $0x7FFFFFFF, v60  }
0x65: {  	[tilespmem:s11+$0x2000] =	vst v1;
	v0 =	vandn.u32 $0x7, v0;
	v62 =	vxor.u32 v61, v3  }
0x66: {  	[tilespmem:s11+$0x2880] =	vst v0;
	v63 =	vmax.f32 v62, $0.0e+00  }
0x67: {  	[tilespmem:s11+$0x2080] =	vst v63  }
0x68: {  	[hbm4b:s4+s2] =	stream.linear.scatter [tilespmem:s8], [sflag:$0x1], $0x800, $0x38;
	[tilespmem:$0x3000] =	vst v63  }
0x69: {  	s10 =	sadd.s32 $0x1, s10;
	_ =	swait.ge [sflag:s7], $0x800  }
0x6a: {  	p0 =	sne.s32 s10, s6;
	[sflag:s7] =	ssyncset.done $0x0  }
.Ltmp1:
0x6b: {  	[sflag:s7] =	ssyncadd.s32 $0xFFFFF800;
	(pc) =	sbr.rel @p0 .LBB2_1-.Ltmp1, $4  }
0x6c: {  	[hbm4b:s5+s2] =	stream.linear.scatter [tilespmem:s9], [sflag:$0x1], $0x800, $0x38;
	[tilespmem:$0x3000] =	vst v63  }
0x6d: {  	_ =	swait.ge [sflag:s7], $0x800  }
0x6e: {  	[sflag:s7] =	ssyncset.done $0x0  }
0x6f: {  	[sflag:s7] =	ssyncadd.s32 $0xFFFFF800  }
0x70: {  	_ =	sfence.sel $0x180000  }
0x71: {  	[bflag:$0x0] =	sbarrier.arrive $0xFFFF  }
0x72: {  	p0 =	sne.s32 s1, $0x0;
	_ =	strace $0x90000047  }
0x73: {  	s0 =	sadd.s32 @!p0 $0x100000, s0;
	[bflag:$0x2] =	sbarrier.arrive $0xFFFF  }
0x74: {  	[sflag:s0] =	ssyncadd.tile.s32 @!p0 $0x1;
	_ =	shalt  }
.Lfunc_end2:
_tile_overlayer_lowered:
.L_overlay_start_2:
0x75: {  	(tag) =	ssettag $0x2  }
0x76: {  	s0 =	rddreg [dreg:$0x0];
	s2 =	stileid.u32  }
0x77: {  	s1 =	rddreg [dreg:$0x1];
	p0 =	sne.s32 s2, $0x0  }
0x78: {  	s3 =	rddreg [dreg:$0x2];
	[bflag:$0x3] =	sbarrier.arrive $0xFFFF;
	s2 =	simm.s32 @!p0 $0x1C01  }
0x79: {  	[timem:s3], [sflag:s2] =	dma.local @!p0 [hbm:s0], s1  }
0x7a: {  	s0 =	simm.s32 @!p0 $0x1  }
0x7b: {  	_ =	swait.ge @!p0 [sflag:s0], s1  }
0x7c: {  	s1 =	ssub.s32 @!p0 $0x0, s1;
	[sflag:s0] =	ssyncset.done @!p0 $0x0  }
0x7d: {  	[sflag:s0] =	ssyncadd.s32 @!p0 s1  }
0x7e: {  	[bflag:$0x3] =	sbarrier.arrive $0xFFFF  }
0x7f: {  	_ =	shalt  }

</sc_bundles>
